<compile_context>
chip_gen: v7x
topology: tpu7x:2x2x1
jax: 0.10.2.dev20260603
libtpu: 0.0.44.dev20260713+nightly
codegen_flags: <defaults>
</compile_context>

<pallas_src>
import functools

import jax
import jax.numpy as jnp
from jax import lax
from jax.experimental import pallas as pl
from jax.experimental.pallas import tpu as pltpu
from jax.experimental.pallas import tpu_sc as plsc

_N = 16384
_K = 128
_NUM_SUBCORES = 16
_CHUNK = _N // _NUM_SUBCORES
_LANES = 16

@functools.cache
def _get_lookup():
    mesh = plsc.VectorSubcoreMesh(
        core_axis_name="c",
        subcore_axis_name="s",
        num_cores=1,
        num_subcores=_NUM_SUBCORES,
    )

    @functools.partial(
        pl.kernel,
        out_type=jax.ShapeDtypeStruct((_N,), jnp.int32),
        mesh=mesh,
        scratch_types=[
            pltpu.VMEM((_CHUNK,), jnp.int32),
            pltpu.VMEM((_K,), jnp.int32),
            pltpu.VMEM((_K,), jnp.int32),
            pltpu.VMEM((_CHUNK,), jnp.int32),
            pltpu.SemaphoreType.DMA,
            pltpu.SemaphoreType.DMA,
        ],
        compiler_params=pltpu.CompilerParams(
            needs_layout_passes=False,
        ),
    )
    def _lookup(x_hbm, cond_hbm, out_hbm, x_v, cond_v, inv_v, out_v, sem_x, sem_c):
        wid = lax.axis_index("s")
        base = wid * _CHUNK
        cp_x = pltpu.async_copy(x_hbm.at[pl.ds(base, _CHUNK)], x_v, sem_x)
        cp_c = pltpu.async_copy(cond_hbm, cond_v, sem_c)
        cp_c.wait()

        lane = lax.iota(jnp.int32, _LANES)

        @plsc.parallel_loop(0, _K, step=_LANES)
        def build(off):
            vals = cond_v[pl.ds(off, _LANES)]
            plsc.store_scatter(inv_v, [vals], lane + off)

        cp_x.wait()

        @plsc.parallel_loop(0, _CHUNK, step=_LANES, unroll=2)
        def body(off):
            query = x_v[pl.ds(off, _LANES)]
            out_v[pl.ds(off, _LANES)] = plsc.load_gather(inv_v, [query])

        pltpu.sync_copy(out_v, out_hbm.at[pl.ds(base, _CHUNK)])

    return _lookup


def kernel(x, condition_tensors):
    idx = _get_lookup()(x, condition_tensors)
    return idx.reshape(-1, 1, 1).astype(jnp.int64)

# --- scband reference (transcript-rebuilt; emitter-appended) ---
"""Pipeline reference for scband-string-label-encoder-12403865550879 (READ-ONLY COPY).

The authoritative reference and input builder live on the scoring server;
editing this copy changes nothing except your own understanding.
"""

import jax, jax.numpy as jnp
import numpy as np


def _build_condition_tensors():
    # Faithful replication of StringLabelEncoder.__init__ with classes = [chr(i) for i in range(128)]
    classes = [chr(i) for i in range(128)]
    max_word_length = max(max(len(c) for c in cat) for cat in classes)  # = 1
    while max_word_length % 4 != 0:
        max_word_length += 1  # -> 4
    data_type = '|S' + str(max_word_length)
    classes_conv = np.array(sorted(set(classes)), dtype=data_type).view(np.int32)
    # little-endian: encoding of chr(i) padded with nulls viewed as int32 == i
    return jnp.asarray(classes_conv)  # int32[128]


def setup_inputs(seed: int = 0) -> dict:
    key = jax.random.key(seed)
    condition_tensors = _build_condition_tensors()
    # query values: int32 codes guaranteed to exist in condition_tensors
    x = jax.random.randint(key, (16384,), 0, 128, dtype=jnp.int32)
    return {"x": x, "condition_tensors": condition_tensors}


def reference(x, condition_tensors):
    # torch forward: for each v in x.view(-1,1): (condition_tensors == v).nonzero()
    # each match is unique -> nonzero() has shape [1,1]; stacked -> [N,1,1]
    xv = x.reshape(-1, 1)                       # [N,1]
    eq = xv == condition_tensors[None, :]       # [N,K] equality scan
    idx = jnp.argmax(eq, axis=1)                # index of the (unique) match
    return idx.reshape(-1, 1, 1).astype(jnp.int64)

if __name__ == "__main__":
    import jax
    _d = setup_inputs()
    print(jax.jit(kernel)(*tuple(_d.values())))

</pallas_src>

<mosaic_0001>
#map = affine_map<(d0, d1) -> (0)>
module attributes {stable_mosaic.version = 14 : i64} {
  func.func @_lookup(%arg0: i32, %arg1: i32, %arg2: memref<16384xi32, #tpu.memory_space<hbm>>, %arg3: memref<128xi32, #tpu.memory_space<hbm>>, %arg4: memref<16384xi32, #tpu.memory_space<hbm>>, %arg5: memref<1024xi32, #tpu.memory_space<vmem>>, %arg6: memref<128xi32, #tpu.memory_space<vmem>>, %arg7: memref<128xi32, #tpu.memory_space<vmem>>, %arg8: memref<1024xi32, #tpu.memory_space<vmem>>, %arg9: memref<!tpu.dma_semaphore, #tpu.memory_space<semaphore_mem>>, %arg10: memref<!tpu.dma_semaphore, #tpu.memory_space<semaphore_mem>>) attributes {dimension_semantics = [#tpu.dimension_semantics<core_parallel>, #tpu.dimension_semantics<subcore_parallel>], iteration_bounds = array<i64: 1, 16>, scalar_prefetch = 0 : i64, scratch_operands = 6 : i64, tpu.core_type = #tpu.core_type<sc_vector_subcore>, window_params = [{transform_indices = #map}, {transform_indices = #map}, {transform_indices = #map}]} {
    %mul3A = arith.constant 1024 : i32
    %mul3A_0 = arith.muli %arg1, %mul3A : i32
    %dma_start3A = tpu.memref_slice %arg2[%mul3A_0] : memref<16384xi32, #tpu.memory_space<hbm>> -> memref<1024xi32, #tpu.memory_space<hbm>>
    %dma_start3A_1 = tpu.memref_slice %arg2[%mul3A_0] : memref<16384xi32, #tpu.memory_space<hbm>> -> memref<1024xi32, #tpu.memory_space<hbm>>
    tpu.enqueue_dma source(%dma_start3A_1 : memref<1024xi32, #tpu.memory_space<hbm>>) target(%arg5 : memref<1024xi32, #tpu.memory_space<vmem>>) target_semaphore(%arg9 : memref<!tpu.dma_semaphore, #tpu.memory_space<semaphore_mem>>)
    tpu.enqueue_dma source(%arg3 : memref<128xi32, #tpu.memory_space<hbm>>) target(%arg6 : memref<128xi32, #tpu.memory_space<vmem>>) target_semaphore(%arg10 : memref<!tpu.dma_semaphore, #tpu.memory_space<semaphore_mem>>)
    tpu.wait_dma2 semaphore(%arg10 : memref<!tpu.dma_semaphore, #tpu.memory_space<semaphore_mem>>) src(%arg3 : memref<128xi32, #tpu.memory_space<hbm>>) dst(%arg6 : memref<128xi32, #tpu.memory_space<vmem>>)
    %iota3A = tpu.iota {dimensions = array<i32: 0>} : vector<16xi32>
    %parallel_loop3A = arith.constant 0 : i32
    %parallel_loop3A_2 = arith.constant 128 : i32
    %parallel_loop3A_3 = arith.constant 16 : i32
    scf.for %parallel_loop3A_8 = %parallel_loop3A to %parallel_loop3A_2 step %parallel_loop3A_3  : i32 {
      %parallel_loop3A_9 = arith.index_cast %parallel_loop3A_8 : i32 to index
      %parallel_loop3A_10 = tpu.vector_load %arg6[%parallel_loop3A_9] {strides = array<i32>} : memref<128xi32, #tpu.memory_space<vmem>>, vector<16xi32>,
      %parallel_loop3A_11 = vector.broadcast %parallel_loop3A_8 : i32 to vector<16xi32>
      %parallel_loop3A_12 = arith.addi %iota3A, %parallel_loop3A_11 : vector<16xi32>
      tpu.vector_store_idx %arg7[%parallel_loop3A_10], %parallel_loop3A_12 : memref<128xi32, #tpu.memory_space<vmem>>[vector<16xi32>], vector<16xi32>,
    } {sc.loop_unroll_factor = 1 : i64, sc.parallel_access}
    %dma_wait3A = tpu.memref_slice %arg2[%mul3A_0] : memref<16384xi32, #tpu.memory_space<hbm>> -> memref<1024xi32, #tpu.memory_space<hbm>>
    %dma_wait3A_4 = tpu.memref_slice %arg2[%mul3A_0] : memref<16384xi32, #tpu.memory_space<hbm>> -> memref<1024xi32, #tpu.memory_space<hbm>>
    tpu.wait_dma2 semaphore(%arg9 : memref<!tpu.dma_semaphore, #tpu.memory_space<semaphore_mem>>) src(%dma_wait3A_4 : memref<1024xi32, #tpu.memory_space<hbm>>) dst(%arg5 : memref<1024xi32, #tpu.memory_space<vmem>>)
    %parallel_loop3A_5 = arith.constant 0 : i32
    %parallel_loop3A_6 = arith.constant 1024 : i32
    %parallel_loop3A_7 = arith.constant 16 : i32
    scf.for %parallel_loop3A_8 = %parallel_loop3A_5 to %parallel_loop3A_6 step %parallel_loop3A_7  : i32 {
      %parallel_loop3A_9 = arith.index_cast %parallel_loop3A_8 : i32 to index
      %parallel_loop3A_10 = tpu.vector_load %arg5[%parallel_loop3A_9] {strides = array<i32>} : memref<1024xi32, #tpu.memory_space<vmem>>, vector<16xi32>,
      %parallel_loop3A_11 = tpu.vector_load_idx %arg7[%parallel_loop3A_10] : memref<128xi32, #tpu.memory_space<vmem>>[vector<16xi32>], vector<16xi32>,
      %parallel_loop3A_12 = arith.index_cast %parallel_loop3A_8 : i32 to index
      %parallel_loop3A_13 = tpu.vector_load %arg8[%parallel_loop3A_12] {strides = array<i32>} : memref<1024xi32, #tpu.memory_space<vmem>>, vector<16xi32>,
      tpu.vector_store %arg8[%parallel_loop3A_12], %parallel_loop3A_11 {strides = array<i32>} : memref<1024xi32, #tpu.memory_space<vmem>>, vector<16xi32>,
    } {sc.loop_unroll_factor = 2 : i64, sc.parallel_access}
    "tpu.region"() ({
      %run_scoped3A = tpu.sem_alloc : memref<!tpu.dma_semaphore, #tpu.memory_space<semaphore_mem>>
      %dma_start3A_8 = tpu.memref_slice %arg4[%mul3A_0] : memref<16384xi32, #tpu.memory_space<hbm>> -> memref<1024xi32, #tpu.memory_space<hbm>>
      %dma_start3A_9 = tpu.memref_slice %arg4[%mul3A_0] : memref<16384xi32, #tpu.memory_space<hbm>> -> memref<1024xi32, #tpu.memory_space<hbm>>
      tpu.enqueue_dma source(%arg8 : memref<1024xi32, #tpu.memory_space<vmem>>) target(%dma_start3A_9 : memref<1024xi32, #tpu.memory_space<hbm>>) target_semaphore(%run_scoped3A : memref<!tpu.dma_semaphore, #tpu.memory_space<semaphore_mem>>)
      %dma_wait3A_10 = tpu.memref_slice %arg4[%mul3A_0] : memref<16384xi32, #tpu.memory_space<hbm>> -> memref<1024xi32, #tpu.memory_space<hbm>>
      %dma_wait3A_11 = tpu.memref_slice %arg4[%mul3A_0] : memref<16384xi32, #tpu.memory_space<hbm>> -> memref<1024xi32, #tpu.memory_space<hbm>>
      tpu.wait_dma2 semaphore(%run_scoped3A : memref<!tpu.dma_semaphore, #tpu.memory_space<semaphore_mem>>) src(%arg8 : memref<1024xi32, #tpu.memory_space<vmem>>) dst(%dma_wait3A_11 : memref<1024xi32, #tpu.memory_space<hbm>>)
      tpu.yield
    }) : () -> ()
    return
  }
}

</mosaic_0001>

<sc_bundles>
// kernel: kernel.3.cloned.1.call-start
scs
__scs_entry_jumppad:
0x0: {  	(pc) =	sbr.rel $0x88, $3  }
0x1: {  	(tag) =	ssettag $0x0;
	lr =	simm.s32 $0x1  }
0x2: {  	[smem:$0x3F9F] =	sst lr;
	_ =	strace $0xD0000000  }
0x3: {  	_ = 	snop  }
0x4: {  	_ = 	snop  }
0x5: {  	_ = 	snop  }
0x6: {  	_ = 	snop  }
0x7: {  	_ = 	snop  }
__scs_overlays_trampoline_lowered:
0x8: {  	[smem:$0x3FAE] =	sst s0  }
0x9: {  	[smem:$0x3FAF] =	sst s1  }
0xa: {  	[smem:$0x3FB0] =	sst s2  }
0xb: {  	[smem:$0x3FB1] =	sst s3  }
0xc: {  	[smem:$0x3FB2] =	sst s4  }
0xd: {  	[smem:$0x3FB3] =	sst s5  }
0xe: {  	[smem:$0x3FB4] =	sst s6  }
0xf: {  	[smem:$0x3FB5] =	sst s7  }
0x10: {  	[smem:$0x3FB6] =	sst s8  }
0x11: {  	[smem:$0x3FB7] =	sst s9;
	s0 =	simm.s32 @!p0 $0x0  }
0x12: {  	s1 =	sld [smem:$0x3F9D];
	s0 =	simm.s32 @p0 $0x1  }
0x13: {  	[smem:$0x3FB8] =	sst s0;
	s0 =	simm.s32 @!p1 $0x0  }
0x14: {  	s2 =	sld [smem:$0x3F9C];
	s0 =	simm.s32 @p1 $0x1  }
0x15: {  	[smem:$0x3FB9] =	sst s0;
	s0 =	simm.s32 @!p2 $0x0  }
0x16: {  	s3 =	sld [smem:$0x3FDB];
	s0 =	simm.s32 @p2 $0x1  }
0x17: {  	s4 =	simm.s32 $0x1BF5;
	[smem:$0x3FBB] =	sst s0  }
0x18: {  	s0 =	sld [smem:$0x3F9E];
	_ =	swait.ge [sflag:s4], $0x0  }
0x19: {  	s7 =	sld [smem:$0x3F9F]  }
0x1a: {  	s8 =	sadd.s32 $0xFFFFE003, lr  }
0x1b: {  	s9 =	sadd.s32 $0xFFFFFEF7, lr;
	s5 =	simm.s32 $0xFFFFFFFF;
	p2 =	slt.u32 s8, $0xFFFFF086  }
0x1c: {  	p1 =	slt.u32 s9, $0xF7A;
	s5 =	simm.s32 @!p2 $0x0  }
0x1d: {  	s5 =	simm.s32 @p1 $0x1;
	p0 =	seq.s32 s7, s2  }
0x1e: {  	s7 =	smul.u32 @!p0 $0xF7A, s2;
	p2 =	seq.s32 @!p0 s5, $0x0  }
0x1f: {  	s9 =	smul.u32 $0xF7A, s1;
	s8 =	simm.s32 @!p0 $0x1BF5;
	p2 =	por !p2, p0  }
0x20: {  	[sflag:s8] =	ssyncset.s32 @!p0 $0xFFFFF086;
	s6 =	sadd.s32 @!p0 s3, s7;
	s7 =	simm.s32 @!p0 $0x108  }
0x21: {  	s3 =	sadd.s32 s3, s9;
	s6 =	sadd.s32 @!p0 $0x88, s6;
	s7 =	simm.s32 @p2 $0x1082  }
0x22: {  	[simem:s7], [sflag:s8] =	dma.local @!p0 [hbm:s6], $0xF7A  }
0x23: {  	s9 =	sor.u32 $0xD0000000, s2;
	s6 =	simm.s32 $0x108;
	_ =	swait.ge @!p0 [sflag:s8], $0x0  }
0x24: {  	s3 =	sadd.s32 $0x88, s3;
	s6 =	simm.s32 @!p1 $0x1082;
	[sflag:s4] =	ssyncset.s32 $0xFFFFF086  }
0x25: {  	[simem:s6], [sflag:s4] =	dma.local [hbm:s3], $0xF7A  }
0x26: {  	[smem:$0x3F9F] =	sst s1;
	(tag) =	ssettag s2;
	_ =	strace s9  }
0x27: {  	s1 =	sld [smem:$0x3FAF]  }
0x28: {  	s2 =	sld [smem:$0x3FB0]  }
0x29: {  	s4 =	sld [smem:$0x3FB2]  }
0x2a: {  	p0 =	seq.s32 s5, $0x0;
	s5 =	sld [smem:$0x3FB3]  }
0x2b: {  	s6 =	sld [smem:$0x3FB4]  }
0x2c: {  	s7 =	sld [smem:$0x3FB5]  }
0x2d: {  	s3 =	simm.s32 $0x108;
	s8 =	sld [smem:$0x3FB6]  }
0x2e: {  	s3 =	simm.s32 @!p0 $0x1082;
	s9 =	sld [smem:$0x3FB7]  }
0x2f: {  	lr =	sadd.s32 s0, s3;
	s0 =	sld [smem:$0x3FAE]  }
0x30: {  	s3 =	sld [smem:$0x3FB1]  }
0x31: {  	[smem:$0x3FBA] =	sst s10  }
0x32: {  	s10 =	sld [smem:$0x3FB8];
	_ =	sdelay $0x3  }
0x33: {  	p0 =	seq.s32 s10, $0x1;
	s10 =	sld [smem:$0x3FBA];
	_ =	sdelay $0x3  }
0x34: {  	[smem:$0x3FBA] =	sst s10  }
0x35: {  	s10 =	sld [smem:$0x3FB9];
	_ =	sdelay $0x3  }
0x36: {  	p1 =	seq.s32 s10, $0x1;
	s10 =	sld [smem:$0x3FBA];
	_ =	sdelay $0x3  }
0x37: {  	[smem:$0x3FBA] =	sst s10  }
0x38: {  	s10 =	sld [smem:$0x3FBB]  }
0x39: {  	_ = 	snop;
	(pc) =	sbr.ind lr, $3  }
0x3a: {  	_ = 	snop  }
0x3b: {  	_ = 	snop  }
0x3c: {  	p2 =	seq.s32 s10, $0x1;
	s10 =	sld [smem:$0x3FBA]  }
0x3d: {  	_ =	shalt  }
0x3e: {  	_ =	shalt  }
0x3f: {  	_ =	shalt  }
0x40: {  	_ =	shalt  }
0x41: {  	_ =	shalt  }
0x42: {  	_ =	shalt  }
0x43: {  	_ =	shalt  }
0x44: {  	_ =	shalt  }
0x45: {  	_ =	shalt  }
0x46: {  	_ =	shalt  }
0x47: {  	_ =	shalt  }
0x48: {  	_ =	shalt  }
0x49: {  	_ =	shalt  }
0x4a: {  	_ =	shalt  }
0x4b: {  	_ =	shalt  }
0x4c: {  	_ =	shalt  }
0x4d: {  	_ =	shalt  }
0x4e: {  	_ =	shalt  }
0x4f: {  	_ =	shalt  }
0x50: {  	_ =	shalt  }
0x51: {  	_ =	shalt  }
0x52: {  	_ =	shalt  }
0x53: {  	_ =	shalt  }
0x54: {  	_ =	shalt  }
0x55: {  	_ =	shalt  }
0x56: {  	_ =	shalt  }
0x57: {  	_ =	shalt  }
0x58: {  	_ =	shalt  }
0x59: {  	_ =	shalt  }
0x5a: {  	_ =	shalt  }
0x5b: {  	_ =	shalt  }
0x5c: {  	_ =	shalt  }
0x5d: {  	_ =	shalt  }
0x5e: {  	_ =	shalt  }
0x5f: {  	_ =	shalt  }
0x60: {  	_ =	shalt  }
0x61: {  	_ =	shalt  }
0x62: {  	_ =	shalt  }
0x63: {  	_ =	shalt  }
0x64: {  	_ =	shalt  }
0x65: {  	_ =	shalt  }
0x66: {  	_ =	shalt  }
0x67: {  	_ =	shalt  }
0x68: {  	_ =	shalt  }
0x69: {  	_ =	shalt  }
0x6a: {  	_ =	shalt  }
0x6b: {  	_ =	shalt  }
0x6c: {  	_ =	shalt  }
0x6d: {  	_ =	shalt  }
0x6e: {  	_ =	shalt  }
0x6f: {  	_ =	shalt  }
0x70: {  	_ =	shalt  }
0x71: {  	_ =	shalt  }
0x72: {  	_ =	shalt  }
0x73: {  	_ =	shalt  }
0x74: {  	_ =	shalt  }
0x75: {  	_ =	shalt  }
0x76: {  	_ =	shalt  }
0x77: {  	_ =	shalt  }
0x78: {  	_ =	shalt  }
0x79: {  	_ =	shalt  }
0x7a: {  	_ =	shalt  }
0x7b: {  	_ =	shalt  }
0x7c: {  	_ =	shalt  }
0x7d: {  	_ =	shalt  }
0x7e: {  	_ =	shalt  }
0x7f: {  	_ =	shalt  }
0x80: {  	_ =	shalt  }
0x81: {  	_ =	shalt  }
0x82: {  	_ =	shalt  }
0x83: {  	_ =	shalt  }
0x84: {  	_ =	shalt  }
0x85: {  	_ =	shalt  }
0x86: {  	_ =	shalt  }
0x87: {  	_ =	shalt  }
.Lfunc_end0:
.L_simem_size_0:
called_computation_lowered:
.L_overlay_start_0:
0x88: {  	s0 =	sld [smem:$0x3FD9]  }
0x89: {  	s1 =	sld [smem:$0x3FFE];
	_ =	sdelay $0x3  }
0x8a: {  	s0 =	sadd.s32 s1, s0  }
0x8b: {  	[smem:$0x3FC6] =	sst s0  }
0x8c: {  	_ = 	snop  }
0x8d: {  	s0 =	sld [smem:$0x3FC9]  }
0x8e: {  	s17 =	sld [smem:$0x3FC8]  }
0x8f: {  	s2 =	sld [smem:$0x3FD0];
	(tm) =	ssettm $0x1  }
0x90: {  	s3 =	sld [smem:$0x3FFB];
	_ =	sdelay $0x3  }
0x91: {  	_ =	strace s3  }
0x92: {  	s3 =	sld [smem:$0x3FFC];
	_ =	sdelay $0x3  }
0x93: {  	_ =	strace s3  }
0x94: {  	s3 =	sld [smem:$0x3FFD];
	_ =	sdelay $0x3  }
0x95: {  	_ =	strace s3  }
0x96: {  	_ =	strace $0x8FFFFFFF  }
0x97: {  	s18 =	sld [smem:$0x3FDB];
	_ =	sdelay $0x1  }
0x98: {  	s4 =	simm.s32 $_scs_section_size  }
0x99: {  	s5 =	simm.s32 $_size__tile_overlayer_lowered;
	s6 =	simm.s32 $_tile_overlayer_lowered  }
0x9a: {  	s21 =	simm.s32 $0x1BFF;
	s20 =	sshll.u32 s6, $0x1;
	s3 =	sadd.s32 s4, s18  }
0x9b: {  	s7 =	simm.s32 $0x0;
	s19 =	sshll.u32 s5, $0x1;
	s5 =	sadd.s32 s20, s3  }
0x9c: {  	[timem:s7], [sflag:s21] =	dma.local [hbm:s5], s19  }
0x9d: {  	_ =	swait.ge [sflag:s21], s19  }
0x9e: {  	s4 =	ssub.s32 $0x0, s19;
	[sflag:s21] =	ssyncset.done $0x0  }
0x9f: {  	[sflag:s21] =	ssyncadd.s32 s4;
	_ =	sdelay $0x1  }
0xa0: {  	s22 =	simm.s32 $0x1B8B  }
0xa1: {  	_ =	swait.ge [sflag:s22], $0x1  }
0xa2: {  	[sflag:s22] =	ssyncset.done $0x0  }
0xa3: {  	s23 =	simm.s32 $0x1B8E;
	[sflag:s22] =	ssyncadd.s32 $0xFFFFFFFF  }
0xa4: {  	s24 =	simm.s32 $execute0_lowered;
	[smem:$0x3FD2] =	sst s23  }
0xa5: {  	s4 =	sshll.u32 s24, $0x1;
	_ =	strace $0x80000046;
	[dreg:$0x1] =	wrdreg $0xFFFFFFFF  }
0xa6: {  	s25 =	simm.s32 $_size_execute0_lowered;
	s3 =	sadd.s32 s3, s4;
	[dreg:$0x0] =	wrdreg $0x0  }
0xa7: {  	s4 =	sshll.u32 s25, $0x1;
	[dreg:$0x2] =	wrdreg s3  }
0xa8: {  	[dreg:$0x3] =	wrdreg s4  }
0xa9: {  	[dreg:$0x4] =	wrdreg $0xC0  }
0xaa: {  	_ =	task [dreg:s7], $0x5FFFF  }
0xab: {  	[dreg:$0x1] =	wrdreg $0xFFFFFFFF  }
0xac: {  	[dreg:$0x0] =	wrdreg $0x60  }
0xad: {  	[dreg:$0x2] =	wrdreg s0  }
0xae: {  	[dreg:$0x3] =	wrdreg s17  }
0xaf: {  	[dreg:$0x4] =	wrdreg s2  }
0xb0: {  	[dreg:$0x5] =	wrdreg $0x9  }
0xb1: {  	_ =	task.clear_ibuf [dreg:s7], $0x6FFFF;
	_ =	strace $0x90000046  }
0xb2: {  	s26 =	simm.s32 $0x9;
	_ =	strace $0x80000048  }
0xb3: {  	_ =	swait.ge [sflag:s26], $0x1  }
0xb4: {  	[sflag:s26] =	ssyncadd.s32 $0xFFFFFFFF  }
0xb5: {  	_ =	strace $0x90000048  }
0xb6: {  	_ =	sfence  }
0xb7: {  	s28 =	sld [smem:$0x0];
	_ =	sdelay $0x1  }
0xb8: {  	s29 =	srdreg.scid  }
0xb9: {  	s30 =	sshll.u32 s29, $0xD;
	s31 =	sshrl.u32 s29, $0x2  }
0xba: {  	s1 =	sand.u32 $0x1, s29;
	s2 =	sand.u32 $0x4000, s30;
	s0 =	sadd.s32 s31, s28  }
0xbb: {  	s1 =	sor.u32 s2, s1;
	s0 =	sshll.u32 s0, $0x11  }
0xbc: {  	s0 =	sor.u32 s0, s1  }
0xbd: {  	s0 =	sadd.s32 $0x8F2B, s0  }
0xbe: {  	[sflag:s0] =	ssyncadd.remote.s32 $0x1  }
0xbf: {  	_ =	sfence.sel $0xFFFF  }
0xc0: {  	[dreg:$0x0] =	wrdreg $0xFFFFFFFF;
	(pc) =	sbr.abs _section_cstart, $3  }
0xc1: {  	[dreg:$0x1] =	wrdreg $0xFFFFFFFF  }
0xc2: {  	_ =	task.clear_ibuf [dreg:s7], $0x2FFFF;
	_ =	strace $0x9FFFFFFF  }
0xc3: {  	(tm) =	ssettm $0x7FFFFFFF  }
tec
execute0_lowered:
.L_overlay_start_1:
0x0: {  	(tag) =	ssettag $0x1  }
0x1: {  	s4 =	rddreg [dreg:$0x0]  }
0x2: {  	s5 =	rddreg [dreg:$0x1]  }
0x3: {  	s2 =	rddreg [dreg:$0x2];
	s6 =	simm.s32 $0x0;
	s1 =	stileid.u32  }
0x4: {  	[smem:$0x7FF] =	sst s6;
	s3 =	sshll.u32 s1, $0x7  }
0x5: {  	s0 =	rddreg [dreg:$0x3];
	_ =	strace $0x80000047;
	s4 =	sadd.s32 s4, s3  }
0x6: {  	[tilespmem:s6], [sflag:$0x1] =	stream.linear.gather [hbm4b:s4+s6], $0x400, $0x38;
	[tilespmem:$0x900] =	vst v63  }
0x7: {  	s7 =	simm.s32 $0x400;
	s30 =	simm.s32 $0x2  }
0x8: {  	[tilespmem:s7], [sflag:$0x2] =	stream.linear.gather [hbm4b:s5+s6], $0x80, $0x38;
	[tilespmem:$0x900] =	vst v63  }
0x9: {  	_ =	swait.ge [sflag:s30], $0x80  }
0xa: {  	[sflag:s30] =	ssyncset.done $0x0  }
0xb: {  	[sflag:s30] =	ssyncadd.s32 $0xFFFFFF80  }
0xc: {  	v1 =	vld [tilespmem:s7+$0x0];
	_ =	sdelay $0x5  }
0xd: {  	v0 =	vlaneseq.u32;
	s31 =	simm.s32 $0x0;
	s4 =	simm.s32 $0x480  }
0xe: {  	v2 =	vor.u32 s31, v0;
	s5 =	simm.s32 $0x10;
	s6 =	simm.s32 $0x410;
	s7 =	simm.s32 $0x10  }
.LBB2_1:
0xf: {  	s5 =	sadd.s32 $0x10, s5;
	[tilespmem:v1+s4+$0x0] =	vst.idx.msk $0xffff, v2;
	v1 =	vld [tilespmem:s6+$0x0]  }
0x10: {  	p0 =	slt.u32 s5, $0x70;
	_ =	sdelay $0x1  }
.Ltmp0:
0x11: {  	(pc) =	sbr.rel @p0 .LBB2_1-.Ltmp0, $2  }
0x12: {  	_ =	sdelay $0x2  }
0x13: {  	v2 =	vor.u32 s7, v0;
	s6 =	sadd.s32 $0x10, s6;
	s7 =	smov.u32 s5  }
0x14: {  	v3 =	vld [tilespmem:s6+$0x0];
	_ =	sdelay $0x6  }
0x15: {  	[tilespmem:v1+s4+$0x0] =	vst.idx.msk $0xffff, v2;
	v0 =	vor.u32 s7, v0  }
0x16: {  	s29 =	simm.s32 $0x1;
	[tilespmem:v3+s4+$0x0] =	vst.idx.msk $0xffff, v0  }
0x17: {  	_ =	swait.ge [sflag:s29], $0x400  }
0x18: {  	[sflag:s29] =	ssyncset.done $0x0  }
0x19: {  	s30 =	simm.s32 $0x10;
	[sflag:s29] =	ssyncadd.s32 $0xFFFFFC00  }
0x1a: {  	v2 =	vld [tilespmem:s30+$0xFFFFFFF0]  }
0x1b: {  	v4 =	vld [tilespmem:s30+$0x0];
	_ =	sdelay $0x3  }
0x1c: {  	s31 =	simm.s32 $0x30  }
0x1d: {  	v0 =	vld [tilespmem:s31+$0xFFFFFFF0]  }
0x1e: {  	s5 =	simm.s32 $0x480;
	v1 =	vld [tilespmem:s31+$0x0]  }
0x1f: {  	v3 =	vld.idx.msk [tilespmem:v2+s5+$0x0], $0xffff  }
0x20: {  	v2 =	vld.idx.msk [tilespmem:v4+s5+$0x0], $0xffff;
	_ =	sdelay $0x1  }
0x21: {  	s7 =	simm.s32 $0x20  }
0x22: {  	s8 =	simm.s32 $0x50;
	s6 =	simm.s32 $0x510;
	s4 =	simm.s32 $0x510  }
.LBB2_3:
0x23: {  	v4 =	vld [tilespmem:s8+$0xFFFFFFF0];
	s7 =	sadd.s32 $0x20, s7;
	[tilespmem:s4+$0xFFFFFFF0] =	vst v3;
	s6 =	sadd.s32 $0x20, s6  }
0x24: {  	v5 =	vld [tilespmem:s8+$0x0];
	p0 =	slt.u32 s7, $0x3E0;
	[tilespmem:s4+$0x0] =	vst v2;
	s4 =	smov.u32 s6  }
0x25: {  	v3 =	vld.idx.msk [tilespmem:v0+s5+$0x0], $0xffff  }
.Ltmp1:
0x26: {  	v2 =	vld.idx.msk [tilespmem:v1+s5+$0x0], $0xffff;
	(pc) =	sbr.rel @p0 .LBB2_3-.Ltmp1, $4  }
0x27: {  	_ = 	snop  }
0x28: {  	v0 =	vmov v4  }
0x29: {  	v1 =	vmov v5  }
0x2a: {  	s8 =	sadd.s32 $0x20, s8  }
0x2b: {  	_ =	sdelay $0x3  }
0x2c: {  	v0 =	vld.idx.msk [tilespmem:v0+s5+$0x0], $0xffff  }
0x2d: {  	v1 =	vld.idx.msk [tilespmem:v1+s5+$0x0], $0xffff;
	_ =	sdelay $0x1  }
0x2e: {  	[tilespmem:s4+$0xFFFFFFF0] =	vst v3  }
0x2f: {  	s28 =	sadd.s32 $0x20, s6;
	[tilespmem:s4+$0x0] =	vst v2  }
0x30: {  	s2 =	sadd.s32 s2, s3;
	[tilespmem:s28+$0xFFFFFFF0] =	vst v0  }
0x31: {  	s29 =	simm.s32 $0x0;
	s30 =	simm.s32 $0x500;
	s31 =	simm.s32 $0x3;
	[tilespmem:s28+$0x0] =	vst v1  }
0x32: {  	[hbm4b:s2+s29] =	stream.linear.scatter [tilespmem:s30], [sflag:$0x3], $0x400, $0x38;
	[tilespmem:$0x900] =	vst v63  }
0x33: {  	_ =	swait.ge [sflag:s31], $0x400  }
0x34: {  	[sflag:s31] =	ssyncset.done $0x0  }
0x35: {  	[sflag:s31] =	ssyncadd.s32 $0xFFFFFC00  }
0x36: {  	_ =	sfence.sel $0x180000  }
0x37: {  	[bflag:$0x0] =	sbarrier.arrive $0xFFFF  }
0x38: {  	p0 =	sne.s32 s1, $0x0;
	_ =	strace $0x90000047  }
0x39: {  	s0 =	sadd.s32 @!p0 $0x100000, s0;
	[bflag:$0x2] =	sbarrier.arrive $0xFFFF  }
0x3a: {  	[sflag:s0] =	ssyncadd.tile.s32 @!p0 $0x1;
	_ =	shalt  }
.Lfunc_end2:
_tile_overlayer_lowered:
.L_overlay_start_2:
0x3b: {  	(tag) =	ssettag $0x2  }
0x3c: {  	s0 =	rddreg [dreg:$0x0];
	s2 =	stileid.u32  }
0x3d: {  	s1 =	rddreg [dreg:$0x1];
	p0 =	sne.s32 s2, $0x0  }
0x3e: {  	s3 =	rddreg [dreg:$0x2];
	[bflag:$0x3] =	sbarrier.arrive $0xFFFF;
	s2 =	simm.s32 @!p0 $0x1C03  }
0x3f: {  	[timem:s3], [sflag:s2] =	dma.local @!p0 [hbm:s0], s1  }
0x40: {  	s0 =	simm.s32 @!p0 $0x3  }
0x41: {  	_ =	swait.ge @!p0 [sflag:s0], s1  }
0x42: {  	s1 =	ssub.s32 @!p0 $0x0, s1;
	[sflag:s0] =	ssyncset.done @!p0 $0x0  }
0x43: {  	[sflag:s0] =	ssyncadd.s32 @!p0 s1  }
0x44: {  	[bflag:$0x3] =	sbarrier.arrive $0xFFFF  }
0x45: {  	_ =	shalt  }

</sc_bundles>
